<compile_context>
chip_gen: v7x
topology: tpu7x:2x2x1
jax: 0.10.2.dev20260603
libtpu: 0.0.44.dev20260713+nightly
codegen_flags: <defaults>
</compile_context>

<pallas_src>
import functools
import math

import numpy as np
import jax
import jax.numpy as jnp
from jax import lax
from jax.experimental import pallas as pl
from jax.experimental.pallas import tpu as pltpu
from jax.experimental.pallas import tpu_sc as plsc

_L = 16


def _pe_table(seq_len, d_model):
    position = np.arange(seq_len, dtype=np.float32)[:, None]
    div_term = np.exp(
        np.arange(0, d_model, 2, dtype=np.float32) * (-math.log(10000.0) / d_model)
    )
    pe = np.zeros((seq_len, d_model), dtype=np.float32)
    pe[:, 0::2] = np.sin(position * div_term)
    pe[:, 1::2] = np.cos(position * div_term)
    return jnp.asarray(pe)


def _lane_allsum(x):
    ii = lax.iota(jnp.int32, _L)
    for k in (8, 4, 2, 1):
        x = x + x.at[ii ^ k].get(mode="promise_in_bounds")
    return x


def _rsqrt_vec(x):
    i = lax.bitcast_convert_type(x, jnp.int32)
    i = jnp.int32(0x5F3759DF) - lax.shift_right_logical(i, 1)
    y = lax.bitcast_convert_type(i, jnp.float32)
    for _ in range(3):
        y = y * (jnp.float32(1.5) - jnp.float32(0.5) * x * y * y)
    return y


@functools.lru_cache(maxsize=None)
def _make_sc_kernel(B, S, D, C):
    info = plsc.get_sparse_core_info()
    NC, NS = info.num_cores, info.num_subcores
    NW = NC * NS
    T = B * S
    TPW = T // NW
    NCH = TPW // C
    JD = D // _L
    assert T % NW == 0 and TPW % C == 0 and D % _L == 0

    mesh = plsc.VectorSubcoreMesh(core_axis_name="c", subcore_axis_name="s")

    @functools.partial(
        pl.kernel,
        mesh=mesh,
        out_type=jax.ShapeDtypeStruct((T, D), jnp.float32),
        scratch_types=[
            pltpu.VMEM((TPW,), jnp.int32),
            pltpu.VMEM((C, D), jnp.float32),
            pltpu.VMEM((C, D), jnp.float32),
            pltpu.VMEM((D,), jnp.float32),
            pltpu.VMEM((D,), jnp.float32),
            pltpu.SemaphoreType.DMA,
        ],
    )
    def k(ids_hbm, pe_hbm, table_hbm, gamma_hbm, beta_hbm, out_hbm,
          idx_v, rows_v, pe_v, gamma_v, beta_v, sem):
        w = lax.axis_index("s") * NC + lax.axis_index("c")
        base = w * TPW
        pos0 = lax.rem(base, S)
        pltpu.sync_copy(ids_hbm.at[pl.ds(base, TPW)], idx_v)
        pltpu.sync_copy(gamma_hbm, gamma_v)
        pltpu.sync_copy(beta_hbm, beta_v)

        def chunk(g, _):
            tok0 = base + g * C
            cp = pltpu.async_copy(
                table_hbm.at[idx_v.at[pl.ds(g * C, C)]], rows_v, sem)
            pltpu.sync_copy(pe_hbm.at[pl.ds(pos0 + g * C, C)], pe_v)
            cp.wait()

            def row(r, _r):
                def acc(j, carry):
                    s, ss = carry
                    sl = pl.ds(j * _L, _L)
                    x = rows_v[r, sl] + pe_v[r, sl]
                    rows_v[r, sl] = x
                    return s + x, ss + x * x

                z = jnp.zeros((_L,), jnp.float32)
                s, ss = lax.fori_loop(0, JD, acc, (z, z))
                mv = _lane_allsum(s) * jnp.float32(1.0 / D)
                var = _lane_allsum(ss) * jnp.float32(1.0 / D) - mv * mv
                rstd = _rsqrt_vec(var + jnp.float32(1e-5))

                def norm(j, _n):
                    sl = pl.ds(j * _L, _L)
                    x = rows_v[r, sl]
                    rows_v[r, sl] = (x - mv) * rstd * gamma_v[sl] + beta_v[sl]
                    return 0

                lax.fori_loop(0, JD, norm, 0)
                return 0

            lax.fori_loop(0, C, row, 0)
            pltpu.sync_copy(rows_v, out_hbm.at[pl.ds(tok0, C)])
            return 0

        lax.fori_loop(0, NCH, chunk, 0)

    return k


def kernel(token_ids, token_types, table, gamma, beta):
    B, S = token_ids.shape
    _, D = table.shape
    ids = token_ids.reshape(-1).astype(jnp.int32)
    pe = _pe_table(S, D)
    out = _make_sc_kernel(B, S, D, 16)(ids, pe, table, gamma, beta)
    return out.reshape(B, S, D)

# --- scband reference (transcript-rebuilt; emitter-appended) ---
"""Pipeline reference for scband-hybrid-embedding-78374563217837 (READ-ONLY COPY).

The authoritative reference and input builder live on the scoring server;
editing this copy changes nothing except your own understanding.
"""

import jax, jax.numpy as jnp
import numpy as np
import math


def _pos_encoding(max_len, d_model):
    position = np.arange(max_len, dtype=np.float32)[:, None]
    div_term = np.exp(np.arange(0, d_model, 2, dtype=np.float32) * (-math.log(10000.0) / d_model))
    pe = np.zeros((max_len, d_model), dtype=np.float32)
    pe[:, 0::2] = np.sin(position * div_term)
    pe[:, 1::2] = np.cos(position * div_term)
    return jnp.asarray(pe[None, :, :])


def setup_inputs(seed: int = 0) -> dict:
    key = jax.random.key(seed)
    k1, k2, k3 = jax.random.split(key, 3)
    token_ids = jax.random.randint(k1, (4, 2048), 0, 100000)
    token_types = jax.random.randint(k2, (4, 2048), 0, 2)
    table = jax.random.normal(k3, (100000, 1024), dtype=jnp.float32)
    gamma = jnp.ones((1024,), dtype=jnp.float32)
    beta = jnp.zeros((1024,), dtype=jnp.float32)
    return {"token_ids": token_ids, "token_types": token_types, "table": table, "gamma": gamma, "beta": beta}


def reference(token_ids, token_types, table, gamma, beta):
    # token_types is accepted but unused by the original forward
    seq_len = token_ids.shape[1]
    d_model = table.shape[1]
    pe = _pos_encoding(5000, d_model)
    emb = jnp.take(table, token_ids, axis=0)          # gather: embedding lookup
    emb = emb + pe[:, :seq_len, :]
    mean = jnp.mean(emb, axis=-1, keepdims=True)
    var = jnp.var(emb, axis=-1, keepdims=True)
    normed = (emb - mean) / jnp.sqrt(var + 1e-5)
    return normed * gamma + beta

if __name__ == "__main__":
    import jax
    _d = setup_inputs()
    print(jax.jit(kernel)(*tuple(_d.values())))

</pallas_src>

<mosaic_0001>
#map = affine_map<(d0, d1) -> (0)>
#map1 = affine_map<(d0, d1) -> (0, 0)>
module attributes {stable_mosaic.version = 14 : i64} {
  func.func @k(%arg0: i32, %arg1: i32, %arg2: memref<8192xi32, #tpu.memory_space<hbm>>, %arg3: memref<2048x1024xf32, #tpu.memory_space<hbm>>, %arg4: memref<100000x1024xf32, #tpu.memory_space<hbm>>, %arg5: memref<1024xf32, #tpu.memory_space<hbm>>, %arg6: memref<1024xf32, #tpu.memory_space<hbm>>, %arg7: memref<8192x1024xf32, #tpu.memory_space<hbm>>, %arg8: memref<256xi32, #tpu.memory_space<vmem>>, %arg9: memref<16x1024xf32, #tpu.memory_space<vmem>>, %arg10: memref<16x1024xf32, #tpu.memory_space<vmem>>, %arg11: memref<1024xf32, #tpu.memory_space<vmem>>, %arg12: memref<1024xf32, #tpu.memory_space<vmem>>, %arg13: memref<!tpu.dma_semaphore, #tpu.memory_space<semaphore_mem>>) attributes {dimension_semantics = [#tpu.dimension_semantics<core_parallel>, #tpu.dimension_semantics<subcore_parallel>], iteration_bounds = array<i64: 2, 16>, scalar_prefetch = 0 : i64, scratch_operands = 6 : i64, tpu.core_type = #tpu.core_type<sc_vector_subcore>, window_params = [{transform_indices = #map}, {transform_indices = #map1}, {transform_indices = #map1}, {transform_indices = #map}, {transform_indices = #map}, {transform_indices = #map1}]} {
    %mul3A = arith.constant 2 : i32
    %mul3A_0 = arith.muli %arg1, %mul3A : i32
    %add3A = arith.addi %mul3A_0, %arg0 : i32
    %mul3A_1 = arith.constant 256 : i32
    %mul3A_2 = arith.muli %add3A, %mul3A_1 : i32
    %rem3A = arith.constant 2048 : i32
    %rem3A_3 = arith.remsi %mul3A_2, %rem3A : i32
    "tpu.region"() ({
      %run_scoped3A = tpu.sem_alloc : memref<!tpu.dma_semaphore, #tpu.memory_space<semaphore_mem>>
      %dma_start3A = tpu.memref_slice %arg2[%mul3A_2] : memref<8192xi32, #tpu.memory_space<hbm>> -> memref<256xi32, #tpu.memory_space<hbm>>
      %dma_start3A_10 = tpu.memref_slice %arg2[%mul3A_2] : memref<8192xi32, #tpu.memory_space<hbm>> -> memref<256xi32, #tpu.memory_space<hbm>>
      tpu.enqueue_dma source(%dma_start3A_10 : memref<256xi32, #tpu.memory_space<hbm>>) target(%arg8 : memref<256xi32, #tpu.memory_space<vmem>>) target_semaphore(%run_scoped3A : memref<!tpu.dma_semaphore, #tpu.memory_space<semaphore_mem>>)
      %dma_wait3A = tpu.memref_slice %arg2[%mul3A_2] : memref<8192xi32, #tpu.memory_space<hbm>> -> memref<256xi32, #tpu.memory_space<hbm>>
      %dma_wait3A_11 = tpu.memref_slice %arg2[%mul3A_2] : memref<8192xi32, #tpu.memory_space<hbm>> -> memref<256xi32, #tpu.memory_space<hbm>>
      tpu.wait_dma2 semaphore(%run_scoped3A : memref<!tpu.dma_semaphore, #tpu.memory_space<semaphore_mem>>) src(%dma_wait3A_11 : memref<256xi32, #tpu.memory_space<hbm>>) dst(%arg8 : memref<256xi32, #tpu.memory_space<vmem>>)
      tpu.yield
    }) : () -> ()
    "tpu.region"() ({
      %run_scoped3A = tpu.sem_alloc : memref<!tpu.dma_semaphore, #tpu.memory_space<semaphore_mem>>
      tpu.enqueue_dma source(%arg5 : memref<1024xf32, #tpu.memory_space<hbm>>) target(%arg11 : memref<1024xf32, #tpu.memory_space<vmem>>) target_semaphore(%run_scoped3A : memref<!tpu.dma_semaphore, #tpu.memory_space<semaphore_mem>>)
      tpu.wait_dma2 semaphore(%run_scoped3A : memref<!tpu.dma_semaphore, #tpu.memory_space<semaphore_mem>>) src(%arg5 : memref<1024xf32, #tpu.memory_space<hbm>>) dst(%arg11 : memref<1024xf32, #tpu.memory_space<vmem>>)
      tpu.yield
    }) : () -> ()
    "tpu.region"() ({
      %run_scoped3A = tpu.sem_alloc : memref<!tpu.dma_semaphore, #tpu.memory_space<semaphore_mem>>
      tpu.enqueue_dma source(%arg6 : memref<1024xf32, #tpu.memory_space<hbm>>) target(%arg12 : memref<1024xf32, #tpu.memory_space<vmem>>) target_semaphore(%run_scoped3A : memref<!tpu.dma_semaphore, #tpu.memory_space<semaphore_mem>>)
      tpu.wait_dma2 semaphore(%run_scoped3A : memref<!tpu.dma_semaphore, #tpu.memory_space<semaphore_mem>>) src(%arg6 : memref<1024xf32, #tpu.memory_space<hbm>>) dst(%arg12 : memref<1024xf32, #tpu.memory_space<vmem>>)
      tpu.yield
    }) : () -> ()
    %scan3A = arith.constant 0 : i32
    %scan3A_4 = arith.constant 0 : i32
    %scan3A_5 = arith.constant 16 : i32
    %scan3A_6 = arith.addi %scan3A_4, %scan3A_5 : i32
    %scan3A_7 = arith.constant 1 : i32
    %scan3A_8 = scf.for %scan3A_10 = %scan3A_4 to %scan3A_6 step %scan3A_7 iter_args(%scan3A_11 = %scan3A) -> (i32)  : i32 {
      %mul3A_12 = arith.constant 16 : i32
      %mul3A_13 = arith.muli %scan3A_10, %mul3A_12 : i32
      %add3A_14 = arith.addi %mul3A_2, %mul3A_13 : i32
      %mul3A_15 = arith.constant 16 : i32
      %mul3A_16 = arith.muli %scan3A_10, %mul3A_15 : i32
      %dma_start3A = tpu.memref_slice %arg8[%mul3A_16] : memref<256xi32, #tpu.memory_space<vmem>> -> memref<16xi32, #tpu.memory_space<vmem>>
      %dma_start3A_17 = arith.constant 0 : i32
      %dma_start3A_18 = arith.constant 0 : i32
      %dma_start3A_19 = tpu.memref_slice %arg4[%dma_start3A_17, %dma_start3A_18] : memref<100000x1024xf32, #tpu.memory_space<hbm>> -> memref<100000x1024xf32, #tpu.memory_space<hbm>>
      tpu.enqueue_indirect_dma source(%dma_start3A_19 : memref<100000x1024xf32, #tpu.memory_space<hbm>>) target(%arg9 : memref<16x1024xf32, #tpu.memory_space<vmem>>) offsets(%dma_start3A : memref<16xi32, #tpu.memory_space<vmem>>) semaphore(%arg13 : memref<!tpu.dma_semaphore, #tpu.memory_space<semaphore_mem>>)
      %mul3A_20 = arith.constant 16 : i32
      %mul3A_21 = arith.muli %scan3A_10, %mul3A_20 : i32
      %add3A_22 = arith.addi %rem3A_3, %mul3A_21 : i32
      "tpu.region"() ({
        %run_scoped3A = tpu.sem_alloc : memref<!tpu.dma_semaphore, #tpu.memory_space<semaphore_mem>>
        %dma_start3A_34 = arith.constant 0 : i32
        %dma_start3A_35 = tpu.memref_slice %arg3[%add3A_22, %dma_start3A_34] : memref<2048x1024xf32, #tpu.memory_space<hbm>> -> memref<16x1024xf32, #tpu.memory_space<hbm>>
        %dma_start3A_36 = arith.constant 0 : i32
        %dma_start3A_37 = tpu.memref_slice %arg3[%add3A_22, %dma_start3A_36] : memref<2048x1024xf32, #tpu.memory_space<hbm>> -> memref<16x1024xf32, #tpu.memory_space<hbm>>
        tpu.enqueue_dma source(%dma_start3A_37 : memref<16x1024xf32, #tpu.memory_space<hbm>>) target(%arg10 : memref<16x1024xf32, #tpu.memory_space<vmem>>) target_semaphore(%run_scoped3A : memref<!tpu.dma_semaphore, #tpu.memory_space<semaphore_mem>>)
        %dma_wait3A_38 = arith.constant 0 : i32
        %dma_wait3A_39 = tpu.memref_slice %arg3[%add3A_22, %dma_wait3A_38] : memref<2048x1024xf32, #tpu.memory_space<hbm>> -> memref<16x1024xf32, #tpu.memory_space<hbm>>
        %dma_wait3A_40 = arith.constant 0 : i32
        %dma_wait3A_41 = tpu.memref_slice %arg3[%add3A_22, %dma_wait3A_40] : memref<2048x1024xf32, #tpu.memory_space<hbm>> -> memref<16x1024xf32, #tpu.memory_space<hbm>>
        tpu.wait_dma2 semaphore(%run_scoped3A : memref<!tpu.dma_semaphore, #tpu.memory_space<semaphore_mem>>) src(%dma_wait3A_41 : memref<16x1024xf32, #tpu.memory_space<hbm>>) dst(%arg10 : memref<16x1024xf32, #tpu.memory_space<vmem>>)
        tpu.yield
      }) : () -> ()
      %dma_wait3A = tpu.memref_slice %arg8[%mul3A_16] : memref<256xi32, #tpu.memory_space<vmem>> -> memref<16xi32, #tpu.memory_space<vmem>>
      %dma_wait3A_23 = arith.constant 0 : i32
      %dma_wait3A_24 = arith.constant 0 : i32
      %dma_wait3A_25 = tpu.memref_slice %arg4[%dma_wait3A_23, %dma_wait3A_24] : memref<100000x1024xf32, #tpu.memory_space<hbm>> -> memref<100000x1024xf32, #tpu.memory_space<hbm>>
      tpu.wait_indirect_dma semaphore(%arg13 : memref<!tpu.dma_semaphore, #tpu.memory_space<semaphore_mem>>) src(%dma_wait3A_25 : memref<100000x1024xf32, #tpu.memory_space<hbm>>) dst(%arg9 : memref<16x1024xf32, #tpu.memory_space<vmem>>)
      %scan3A_26 = arith.constant 0 : i32
      %scan3A_27 = arith.constant 0 : i32
      %scan3A_28 = arith.constant 16 : i32
      %scan3A_29 = arith.addi %scan3A_27, %scan3A_28 : i32
      %scan3A_30 = arith.constant 1 : i32
      %scan3A_31 = scf.for %scan3A_34 = %scan3A_27 to %scan3A_29 step %scan3A_30 iter_args(%scan3A_35 = %scan3A_26) -> (i32)  : i32 {
        %broadcast_in_dim3A = arith.constant 0.000000e+00 : f32
        %broadcast_in_dim3A_36 = vector.broadcast %broadcast_in_dim3A : f32 to vector<16xf32>
        %scan3A_37 = arith.constant 0 : i32
        %scan3A_38 = arith.constant 64 : i32
        %scan3A_39 = arith.addi %scan3A_37, %scan3A_38 : i32
        %scan3A_40 = arith.constant 1 : i32
        %scan3A_41:2 = scf.for %scan3A_203 = %scan3A_37 to %scan3A_39 step %scan3A_40 iter_args(%scan3A_204 = %broadcast_in_dim3A_36, %scan3A_205 = %broadcast_in_dim3A_36) -> (vector<16xf32>, vector<16xf32>)  : i32 {
          %mul3A_206 = arith.constant 16 : i32
          %mul3A_207 = arith.muli %scan3A_203, %mul3A_206 : i32
          %get3A = arith.index_cast %scan3A_34 : i32 to index
          %get3A_208 = arith.index_cast %mul3A_207 : i32 to index
          %get3A_209 = tpu.vector_load %arg9[%get3A, %get3A_208] {strides = array<i32>} : memref<16x1024xf32, #tpu.memory_space<vmem>>, vector<1x16xf32>,
          %get3A_210 = vector.shape_cast %get3A_209 : vector<1x16xf32> to vector<16xf32>
          %get3A_211 = arith.index_cast %scan3A_34 : i32 to index
          %get3A_212 = arith.index_cast %mul3A_207 : i32 to index
          %get3A_213 = tpu.vector_load %arg10[%get3A_211, %get3A_212] {strides = array<i32>} : memref<16x1024xf32, #tpu.memory_space<vmem>>, vector<1x16xf32>,
          %get3A_214 = vector.shape_cast %get3A_213 : vector<1x16xf32> to vector<16xf32>
          %add3A_215 = arith.addf %get3A_210, %get3A_214 : vector<16xf32>
          %swap3A = arith.index_cast %scan3A_34 : i32 to index
          %swap3A_216 = arith.index_cast %mul3A_207 : i32 to index
          %swap3A_217 = tpu.vector_load %arg9[%swap3A, %swap3A_216] {strides = array<i32>} : memref<16x1024xf32, #tpu.memory_space<vmem>>, vector<1x16xf32>,
          %swap3A_218 = vector.shape_cast %swap3A_217 : vector<1x16xf32> to vector<16xf32>
          %swap3A_219 = vector.shape_cast %add3A_215 : vector<16xf32> to vector<1x16xf32>
          tpu.vector_store %arg9[%swap3A, %swap3A_216], %swap3A_219 {strides = array<i32>} : memref<16x1024xf32, #tpu.memory_space<vmem>>, vector<1x16xf32>,
          %add3A_220 = arith.addf %scan3A_204, %add3A_215 : vector<16xf32>
          %mul3A_221 = arith.mulf %add3A_215, %add3A_215 : vector<16xf32>
          %add3A_222 = arith.addf %scan3A_205, %mul3A_221 : vector<16xf32>
          scf.yield %add3A_220, %add3A_222 : vector<16xf32>, vector<16xf32>
        }
        %scan3A_42 = arith.constant 64 : i32
        %iota3A = tpu.iota {dimensions = array<i32: 0>} : vector<16xi32>
        %xor3A = arith.constant 8 : i32
        %xor3A_43 = vector.broadcast %xor3A : i32 to vector<16xi32>
        %xor3A_44 = arith.xori %iota3A, %xor3A_43 : vector<16xi32>
        %lt3A = arith.constant 0 : i32
        %lt3A_45 = vector.broadcast %lt3A : i32 to vector<16xi32>
        %lt3A_46 = arith.cmpi slt, %xor3A_44, %lt3A_45 : vector<16xi32>
        %add3A_47 = arith.constant 16 : i32
        %add3A_48 = vector.broadcast %add3A_47 : i32 to vector<16xi32>
        %add3A_49 = arith.addi %xor3A_44, %add3A_48 : vector<16xi32>
        %select_n3A = arith.select %lt3A_46, %add3A_49, %xor3A_44 : vector<16xi1>, vector<16xi32>
        %broadcast_in_dim3A_50 = vector.shape_cast %select_n3A : vector<16xi32> to vector<16x1xi32>
        %gather3A = vector.shape_cast %broadcast_in_dim3A_50 : vector<16x1xi32> to vector<16xi32>
        %gather3A_51 = tpu.dynamic_gather %scan3A_41#0[%gather3A] in [0] : vector<16xf32>, vector<16xi32> -> vector<16xf32>
        %add3A_52 = arith.addf %scan3A_41#0, %gather3A_51 : vector<16xf32>
        %xor3A_53 = arith.constant 4 : i32
        %xor3A_54 = vector.broadcast %xor3A_53 : i32 to vector<16xi32>
        %xor3A_55 = arith.xori %iota3A, %xor3A_54 : vector<16xi32>
        %lt3A_56 = arith.constant 0 : i32
        %lt3A_57 = vector.broadcast %lt3A_56 : i32 to vector<16xi32>
        %lt3A_58 = arith.cmpi slt, %xor3A_55, %lt3A_57 : vector<16xi32>
        %add3A_59 = arith.constant 16 : i32
        %add3A_60 = vector.broadcast %add3A_59 : i32 to vector<16xi32>
        %add3A_61 = arith.addi %xor3A_55, %add3A_60 : vector<16xi32>
        %select_n3A_62 = arith.select %lt3A_58, %add3A_61, %xor3A_55 : vector<16xi1>, vector<16xi32>
        %broadcast_in_dim3A_63 = vector.shape_cast %select_n3A_62 : vector<16xi32> to vector<16x1xi32>
        %gather3A_64 = vector.shape_cast %broadcast_in_dim3A_63 : vector<16x1xi32> to vector<16xi32>
        %gather3A_65 = tpu.dynamic_gather %add3A_52[%gather3A_64] in [0] : vector<16xf32>, vector<16xi32> -> vector<16xf32>
        %add3A_66 = arith.addf %add3A_52, %gather3A_65 : vector<16xf32>
        %xor3A_67 = arith.constant 2 : i32
        %xor3A_68 = vector.broadcast %xor3A_67 : i32 to vector<16xi32>
        %xor3A_69 = arith.xori %iota3A, %xor3A_68 : vector<16xi32>
        %lt3A_70 = arith.constant 0 : i32
        %lt3A_71 = vector.broadcast %lt3A_70 : i32 to vector<16xi32>
        %lt3A_72 = arith.cmpi slt, %xor3A_69, %lt3A_71 : vector<16xi32>
        %add3A_73 = arith.constant 16 : i32
        %add3A_74 = vector.broadcast %add3A_73 : i32 to vector<16xi32>
        %add3A_75 = arith.addi %xor3A_69, %add3A_74 : vector<16xi32>
        %select_n3A_76 = arith.select %lt3A_72, %add3A_75, %xor3A_69 : vector<16xi1>, vector<16xi32>
        %broadcast_in_dim3A_77 = vector.shape_cast %select_n3A_76 : vector<16xi32> to vector<16x1xi32>
        %gather3A_78 = vector.shape_cast %broadcast_in_dim3A_77 : vector<16x1xi32> to vector<16xi32>
        %gather3A_79 = tpu.dynamic_gather %add3A_66[%gather3A_78] in [0] : vector<16xf32>, vector<16xi32> -> vector<16xf32>
        %add3A_80 = arith.addf %add3A_66, %gather3A_79 : vector<16xf32>
        %xor3A_81 = arith.constant 1 : i32
        %xor3A_82 = vector.broadcast %xor3A_81 : i32 to vector<16xi32>
        %xor3A_83 = arith.xori %iota3A, %xor3A_82 : vector<16xi32>
        %lt3A_84 = arith.constant 0 : i32
        %lt3A_85 = vector.broadcast %lt3A_84 : i32 to vector<16xi32>
        %lt3A_86 = arith.cmpi slt, %xor3A_83, %lt3A_85 : vector<16xi32>
        %add3A_87 = arith.constant 16 : i32
        %add3A_88 = vector.broadcast %add3A_87 : i32 to vector<16xi32>
        %add3A_89 = arith.addi %xor3A_83, %add3A_88 : vector<16xi32>
        %select_n3A_90 = arith.select %lt3A_86, %add3A_89, %xor3A_83 : vector<16xi1>, vector<16xi32>
        %broadcast_in_dim3A_91 = vector.shape_cast %select_n3A_90 : vector<16xi32> to vector<16x1xi32>
        %gather3A_92 = vector.shape_cast %broadcast_in_dim3A_91 : vector<16x1xi32> to vector<16xi32>
        %gather3A_93 = tpu.dynamic_gather %add3A_80[%gather3A_92] in [0] : vector<16xf32>, vector<16xi32> -> vector<16xf32>
        %add3A_94 = arith.addf %add3A_80, %gather3A_93 : vector<16xf32>
        %mul3A_95 = arith.constant 9.765625E-4 : f32
        %mul3A_96 = vector.broadcast %mul3A_95 : f32 to vector<16xf32>
        %mul3A_97 = arith.mulf %add3A_94, %mul3A_96 : vector<16xf32>
        %iota3A_98 = tpu.iota {dimensions = array<i32: 0>} : vector<16xi32>
        %xor3A_99 = arith.constant 8 : i32
        %xor3A_100 = vector.broadcast %xor3A_99 : i32 to vector<16xi32>
        %xor3A_101 = arith.xori %iota3A_98, %xor3A_100 : vector<16xi32>
        %lt3A_102 = arith.constant 0 : i32
        %lt3A_103 = vector.broadcast %lt3A_102 : i32 to vector<16xi32>
        %lt3A_104 = arith.cmpi slt, %xor3A_101, %lt3A_103 : vector<16xi32>
        %add3A_105 = arith.constant 16 : i32
        %add3A_106 = vector.broadcast %add3A_105 : i32 to vector<16xi32>
        %add3A_107 = arith.addi %xor3A_101, %add3A_106 : vector<16xi32>
        %select_n3A_108 = arith.select %lt3A_104, %add3A_107, %xor3A_101 : vector<16xi1>, vector<16xi32>
        %broadcast_in_dim3A_109 = vector.shape_cast %select_n3A_108 : vector<16xi32> to vector<16x1xi32>
        %gather3A_110 = vector.shape_cast %broadcast_in_dim3A_109 : vector<16x1xi32> to vector<16xi32>
        %gather3A_111 = tpu.dynamic_gather %scan3A_41#1[%gather3A_110] in [0] : vector<16xf32>, vector<16xi32> -> vector<16xf32>
        %add3A_112 = arith.addf %scan3A_41#1, %gather3A_111 : vector<16xf32>
        %xor3A_113 = arith.constant 4 : i32
        %xor3A_114 = vector.broadcast %xor3A_113 : i32 to vector<16xi32>
        %xor3A_115 = arith.xori %iota3A_98, %xor3A_114 : vector<16xi32>
        %lt3A_116 = arith.constant 0 : i32
        %lt3A_117 = vector.broadcast %lt3A_116 : i32 to vector<16xi32>
        %lt3A_118 = arith.cmpi slt, %xor3A_115, %lt3A_117 : vector<16xi32>
        %add3A_119 = arith.constant 16 : i32
        %add3A_120 = vector.broadcast %add3A_119 : i32 to vector<16xi32>
        %add3A_121 = arith.addi %xor3A_115, %add3A_120 : vector<16xi32>
        %select_n3A_122 = arith.select %lt3A_118, %add3A_121, %xor3A_115 : vector<16xi1>, vector<16xi32>
        %broadcast_in_dim3A_123 = vector.shape_cast %select_n3A_122 : vector<16xi32> to vector<16x1xi32>
        %gather3A_124 = vector.shape_cast %broadcast_in_dim3A_123 : vector<16x1xi32> to vector<16xi32>
        %gather3A_125 = tpu.dynamic_gather %add3A_112[%gather3A_124] in [0] : vector<16xf32>, vector<16xi32> -> vector<16xf32>
        %add3A_126 = arith.addf %add3A_112, %gather3A_125 : vector<16xf32>
        %xor3A_127 = arith.constant 2 : i32
        %xor3A_128 = vector.broadcast %xor3A_127 : i32 to vector<16xi32>
        %xor3A_129 = arith.xori %iota3A_98, %xor3A_128 : vector<16xi32>
        %lt3A_130 = arith.constant 0 : i32
        %lt3A_131 = vector.broadcast %lt3A_130 : i32 to vector<16xi32>
        %lt3A_132 = arith.cmpi slt, %xor3A_129, %lt3A_131 : vector<16xi32>
        %add3A_133 = arith.constant 16 : i32
        %add3A_134 = vector.broadcast %add3A_133 : i32 to vector<16xi32>
        %add3A_135 = arith.addi %xor3A_129, %add3A_134 : vector<16xi32>
        %select_n3A_136 = arith.select %lt3A_132, %add3A_135, %xor3A_129 : vector<16xi1>, vector<16xi32>
        %broadcast_in_dim3A_137 = vector.shape_cast %select_n3A_136 : vector<16xi32> to vector<16x1xi32>
        %gather3A_138 = vector.shape_cast %broadcast_in_dim3A_137 : vector<16x1xi32> to vector<16xi32>
        %gather3A_139 = tpu.dynamic_gather %add3A_126[%gather3A_138] in [0] : vector<16xf32>, vector<16xi32> -> vector<16xf32>
        %add3A_140 = arith.addf %add3A_126, %gather3A_139 : vector<16xf32>
        %xor3A_141 = arith.constant 1 : i32
        %xor3A_142 = vector.broadcast %xor3A_141 : i32 to vector<16xi32>
        %xor3A_143 = arith.xori %iota3A_98, %xor3A_142 : vector<16xi32>
        %lt3A_144 = arith.constant 0 : i32
        %lt3A_145 = vector.broadcast %lt3A_144 : i32 to vector<16xi32>
        %lt3A_146 = arith.cmpi slt, %xor3A_143, %lt3A_145 : vector<16xi32>
        %add3A_147 = arith.constant 16 : i32
        %add3A_148 = vector.broadcast %add3A_147 : i32 to vector<16xi32>
        %add3A_149 = arith.addi %xor3A_143, %add3A_148 : vector<16xi32>
        %select_n3A_150 = arith.select %lt3A_146, %add3A_149, %xor3A_143 : vector<16xi1>, vector<16xi32>
        %broadcast_in_dim3A_151 = vector.shape_cast %select_n3A_150 : vector<16xi32> to vector<16x1xi32>
        %gather3A_152 = vector.shape_cast %broadcast_in_dim3A_151 : vector<16x1xi32> to vector<16xi32>
        %gather3A_153 = tpu.dynamic_gather %add3A_140[%gather3A_152] in [0] : vector<16xf32>, vector<16xi32> -> vector<16xf32>
        %add3A_154 = arith.addf %add3A_140, %gather3A_153 : vector<16xf32>
        %mul3A_155 = arith.constant 9.765625E-4 : f32
        %mul3A_156 = vector.broadcast %mul3A_155 : f32 to vector<16xf32>
        %mul3A_157 = arith.mulf %add3A_154, %mul3A_156 : vector<16xf32>
        %mul3A_158 = arith.mulf %mul3A_97, %mul3A_97 : vector<16xf32>
        %sub3A = arith.subf %mul3A_157, %mul3A_158 : vector<16xf32>
        %add3A_159 = arith.constant 9.99999974E-6 : f32
        %add3A_160 = vector.broadcast %add3A_159 : f32 to vector<16xf32>
        %add3A_161 = arith.addf %sub3A, %add3A_160 : vector<16xf32>
        %bitcast_convert_type3A = tpu.bitcast %add3A_161 : vector<16xf32> -> vector<16xi32>
        %shift_right_logical3A = arith.constant 1 : i32
        %shift_right_logical3A_162 = vector.broadcast %shift_right_logical3A : i32 to vector<16xi32>
        %shift_right_logical3A_163 = arith.shrui %bitcast_convert_type3A, %shift_right_logical3A_162 : vector<16xi32>
        %sub3A_164 = arith.constant 1597463007 : i32
        %sub3A_165 = vector.broadcast %sub3A_164 : i32 to vector<16xi32>
        %sub3A_166 = arith.subi %sub3A_165, %shift_right_logical3A_163 : vector<16xi32>
        %bitcast_convert_type3A_167 = tpu.bitcast %sub3A_166 : vector<16xi32> -> vector<16xf32>
        %mul3A_168 = arith.constant 5.000000e-01 : f32
        %mul3A_169 = vector.broadcast %mul3A_168 : f32 to vector<16xf32>
        %mul3A_170 = arith.mulf %mul3A_169, %add3A_161 : vector<16xf32>
        %mul3A_171 = arith.mulf %mul3A_170, %bitcast_convert_type3A_167 : vector<16xf32>
        %mul3A_172 = arith.mulf %mul3A_171, %bitcast_convert_type3A_167 : vector<16xf32>
        %sub3A_173 = arith.constant 1.500000e+00 : f32
        %sub3A_174 = vector.broadcast %sub3A_173 : f32 to vector<16xf32>
        %sub3A_175 = arith.subf %sub3A_174, %mul3A_172 : vector<16xf32>
        %mul3A_176 = arith.mulf %bitcast_convert_type3A_167, %sub3A_175 : vector<16xf32>
        %mul3A_177 = arith.constant 5.000000e-01 : f32
        %mul3A_178 = vector.broadcast %mul3A_177 : f32 to vector<16xf32>
        %mul3A_179 = arith.mulf %mul3A_178, %add3A_161 : vector<16xf32>
        %mul3A_180 = arith.mulf %mul3A_179, %mul3A_176 : vector<16xf32>
        %mul3A_181 = arith.mulf %mul3A_180, %mul3A_176 : vector<16xf32>
        %sub3A_182 = arith.constant 1.500000e+00 : f32
        %sub3A_183 = vector.broadcast %sub3A_182 : f32 to vector<16xf32>
        %sub3A_184 = arith.subf %sub3A_183, %mul3A_181 : vector<16xf32>
        %mul3A_185 = arith.mulf %mul3A_176, %sub3A_184 : vector<16xf32>
        %mul3A_186 = arith.constant 5.000000e-01 : f32
        %mul3A_187 = vector.broadcast %mul3A_186 : f32 to vector<16xf32>
        %mul3A_188 = arith.mulf %mul3A_187, %add3A_161 : vector<16xf32>
        %mul3A_189 = arith.mulf %mul3A_188, %mul3A_185 : vector<16xf32>
        %mul3A_190 = arith.mulf %mul3A_189, %mul3A_185 : vector<16xf32>
        %sub3A_191 = arith.constant 1.500000e+00 : f32
        %sub3A_192 = vector.broadcast %sub3A_191 : f32 to vector<16xf32>
        %sub3A_193 = arith.subf %sub3A_192, %mul3A_190 : vector<16xf32>
        %mul3A_194 = arith.mulf %mul3A_185, %sub3A_193 : vector<16xf32>
        %scan3A_195 = arith.constant 0 : i32
        %scan3A_196 = arith.constant 0 : i32
        %scan3A_197 = arith.constant 64 : i32
        %scan3A_198 = arith.addi %scan3A_196, %scan3A_197 : i32
        %scan3A_199 = arith.constant 1 : i32
        %scan3A_200 = scf.for %scan3A_203 = %scan3A_196 to %scan3A_198 step %scan3A_199 iter_args(%scan3A_204 = %scan3A_195) -> (i32)  : i32 {
          %mul3A_205 = arith.constant 16 : i32
          %mul3A_206 = arith.muli %scan3A_203, %mul3A_205 : i32
          %get3A = arith.index_cast %scan3A_34 : i32 to index
          %get3A_207 = arith.index_cast %mul3A_206 : i32 to index
          %get3A_208 = tpu.vector_load %arg9[%get3A, %get3A_207] {strides = array<i32>} : memref<16x1024xf32, #tpu.memory_space<vmem>>, vector<1x16xf32>,
          %get3A_209 = vector.shape_cast %get3A_208 : vector<1x16xf32> to vector<16xf32>
          %sub3A_210 = arith.subf %get3A_209, %mul3A_97 : vector<16xf32>
          %mul3A_211 = arith.mulf %sub3A_210, %mul3A_194 : vector<16xf32>
          %get3A_212 = arith.index_cast %mul3A_206 : i32 to index
          %get3A_213 = tpu.vector_load %arg11[%get3A_212] {strides = array<i32>} : memref<1024xf32, #tpu.memory_space<vmem>>, vector<16xf32>,
          %get3A_214 = vector.shape_cast %get3A_213 : vector<16xf32> to vector<16xf32>
          %mul3A_215 = arith.mulf %mul3A_211, %get3A_214 : vector<16xf32>
          %get3A_216 = arith.index_cast %mul3A_206 : i32 to index
          %get3A_217 = tpu.vector_load %arg12[%get3A_216] {strides = array<i32>} : memref<1024xf32, #tpu.memory_space<vmem>>, vector<16xf32>,
          %get3A_218 = vector.shape_cast %get3A_217 : vector<16xf32> to vector<16xf32>
          %add3A_219 = arith.addf %mul3A_215, %get3A_218 : vector<16xf32>
          %swap3A = arith.index_cast %scan3A_34 : i32 to index
          %swap3A_220 = arith.index_cast %mul3A_206 : i32 to index
          %swap3A_221 = tpu.vector_load %arg9[%swap3A, %swap3A_220] {strides = array<i32>} : memref<16x1024xf32, #tpu.memory_space<vmem>>, vector<1x16xf32>,
          %swap3A_222 = vector.shape_cast %swap3A_221 : vector<1x16xf32> to vector<16xf32>
          %swap3A_223 = vector.shape_cast %add3A_219 : vector<16xf32> to vector<1x16xf32>
          tpu.vector_store %arg9[%swap3A, %swap3A_220], %swap3A_223 {strides = array<i32>} : memref<16x1024xf32, #tpu.memory_space<vmem>>, vector<1x16xf32>,
          %scan3A_224 = arith.constant 0 : i32
          scf.yield %scan3A_224 : i32
        }
        %scan3A_201 = arith.constant 64 : i32
        %scan3A_202 = arith.constant 0 : i32
        scf.yield %scan3A_202 : i32
      }
      %scan3A_32 = arith.constant 16 : i32
      "tpu.region"() ({
        %run_scoped3A = tpu.sem_alloc : memref<!tpu.dma_semaphore, #tpu.memory_space<semaphore_mem>>
        %dma_start3A_34 = arith.constant 0 : i32
        %dma_start3A_35 = tpu.memref_slice %arg7[%add3A_14, %dma_start3A_34] : memref<8192x1024xf32, #tpu.memory_space<hbm>> -> memref<16x1024xf32, #tpu.memory_space<hbm>>
        %dma_start3A_36 = arith.constant 0 : i32
        %dma_start3A_37 = tpu.memref_slice %arg7[%add3A_14, %dma_start3A_36] : memref<8192x1024xf32, #tpu.memory_space<hbm>> -> memref<16x1024xf32, #tpu.memory_space<hbm>>
        tpu.enqueue_dma source(%arg9 : memref<16x1024xf32, #tpu.memory_space<vmem>>) target(%dma_start3A_37 : memref<16x1024xf32, #tpu.memory_space<hbm>>) target_semaphore(%run_scoped3A : memref<!tpu.dma_semaphore, #tpu.memory_space<semaphore_mem>>)
        %dma_wait3A_38 = arith.constant 0 : i32
        %dma_wait3A_39 = tpu.memref_slice %arg7[%add3A_14, %dma_wait3A_38] : memref<8192x1024xf32, #tpu.memory_space<hbm>> -> memref<16x1024xf32, #tpu.memory_space<hbm>>
        %dma_wait3A_40 = arith.constant 0 : i32
        %dma_wait3A_41 = tpu.memref_slice %arg7[%add3A_14, %dma_wait3A_40] : memref<8192x1024xf32, #tpu.memory_space<hbm>> -> memref<16x1024xf32, #tpu.memory_space<hbm>>
        tpu.wait_dma2 semaphore(%run_scoped3A : memref<!tpu.dma_semaphore, #tpu.memory_space<semaphore_mem>>) src(%arg9 : memref<16x1024xf32, #tpu.memory_space<vmem>>) dst(%dma_wait3A_41 : memref<16x1024xf32, #tpu.memory_space<hbm>>)
        tpu.yield
      }) : () -> ()
      %scan3A_33 = arith.constant 0 : i32
      scf.yield %scan3A_33 : i32
    }
    %scan3A_9 = arith.constant 16 : i32
    return
  }
}

</mosaic_0001>

<sc_bundles>
// kernel: kernel.3.cloned.1.call-start
scs
__scs_entry_jumppad:
0x0: {  	(pc) =	sbr.rel $0x88, $3  }
0x1: {  	(tag) =	ssettag $0x0;
	lr =	simm.s32 $0x1  }
0x2: {  	[smem:$0x3F9D] =	sst lr;
	_ =	strace $0xD0000000  }
0x3: {  	_ = 	snop  }
0x4: {  	_ = 	snop  }
0x5: {  	_ = 	snop  }
0x6: {  	_ = 	snop  }
0x7: {  	_ = 	snop  }
__scs_overlays_trampoline_lowered:
0x8: {  	[smem:$0x3FAC] =	sst s0  }
0x9: {  	[smem:$0x3FAD] =	sst s1  }
0xa: {  	[smem:$0x3FAE] =	sst s2  }
0xb: {  	[smem:$0x3FAF] =	sst s3  }
0xc: {  	[smem:$0x3FB0] =	sst s4  }
0xd: {  	[smem:$0x3FB1] =	sst s5  }
0xe: {  	[smem:$0x3FB2] =	sst s6  }
0xf: {  	[smem:$0x3FB3] =	sst s7  }
0x10: {  	[smem:$0x3FB4] =	sst s8  }
0x11: {  	[smem:$0x3FB5] =	sst s9;
	s0 =	simm.s32 @!p0 $0x0  }
0x12: {  	s1 =	sld [smem:$0x3F9B];
	s0 =	simm.s32 @p0 $0x1  }
0x13: {  	[smem:$0x3FB6] =	sst s0;
	s0 =	simm.s32 @!p1 $0x0  }
0x14: {  	s2 =	sld [smem:$0x3F9A];
	s0 =	simm.s32 @p1 $0x1  }
0x15: {  	[smem:$0x3FB7] =	sst s0;
	s0 =	simm.s32 @!p2 $0x0  }
0x16: {  	s3 =	sld [smem:$0x3FDB];
	s0 =	simm.s32 @p2 $0x1  }
0x17: {  	s4 =	simm.s32 $0x1BF5;
	[smem:$0x3FB9] =	sst s0  }
0x18: {  	s0 =	sld [smem:$0x3F9C];
	_ =	swait.ge [sflag:s4], $0x0  }
0x19: {  	s7 =	sld [smem:$0x3F9D]  }
0x1a: {  	s8 =	sadd.s32 $0xFFFFE003, lr  }
0x1b: {  	s9 =	sadd.s32 $0xFFFFFEF7, lr;
	s5 =	simm.s32 $0xFFFFFFFF;
	p2 =	slt.u32 s8, $0xFFFFF086  }
0x1c: {  	p1 =	slt.u32 s9, $0xF7A;
	s5 =	simm.s32 @!p2 $0x0  }
0x1d: {  	s5 =	simm.s32 @p1 $0x1;
	p0 =	seq.s32 s7, s2  }
0x1e: {  	s7 =	smul.u32 @!p0 $0xF7A, s2;
	p2 =	seq.s32 @!p0 s5, $0x0  }
0x1f: {  	s9 =	smul.u32 $0xF7A, s1;
	s8 =	simm.s32 @!p0 $0x1BF5;
	p2 =	por !p2, p0  }
0x20: {  	[sflag:s8] =	ssyncset.s32 @!p0 $0xFFFFF086;
	s6 =	sadd.s32 @!p0 s3, s7;
	s7 =	simm.s32 @!p0 $0x108  }
0x21: {  	s3 =	sadd.s32 s3, s9;
	s6 =	sadd.s32 @!p0 $0x88, s6;
	s7 =	simm.s32 @p2 $0x1082  }
0x22: {  	[simem:s7], [sflag:s8] =	dma.local @!p0 [hbm:s6], $0xF7A  }
0x23: {  	s9 =	sor.u32 $0xD0000000, s2;
	s6 =	simm.s32 $0x108;
	_ =	swait.ge @!p0 [sflag:s8], $0x0  }
0x24: {  	s3 =	sadd.s32 $0x88, s3;
	s6 =	simm.s32 @!p1 $0x1082;
	[sflag:s4] =	ssyncset.s32 $0xFFFFF086  }
0x25: {  	[simem:s6], [sflag:s4] =	dma.local [hbm:s3], $0xF7A  }
0x26: {  	[smem:$0x3F9D] =	sst s1;
	(tag) =	ssettag s2;
	_ =	strace s9  }
0x27: {  	s1 =	sld [smem:$0x3FAD]  }
0x28: {  	s2 =	sld [smem:$0x3FAE]  }
0x29: {  	s4 =	sld [smem:$0x3FB0]  }
0x2a: {  	p0 =	seq.s32 s5, $0x0;
	s5 =	sld [smem:$0x3FB1]  }
0x2b: {  	s6 =	sld [smem:$0x3FB2]  }
0x2c: {  	s7 =	sld [smem:$0x3FB3]  }
0x2d: {  	s3 =	simm.s32 $0x108;
	s8 =	sld [smem:$0x3FB4]  }
0x2e: {  	s3 =	simm.s32 @!p0 $0x1082;
	s9 =	sld [smem:$0x3FB5]  }
0x2f: {  	lr =	sadd.s32 s0, s3;
	s0 =	sld [smem:$0x3FAC]  }
0x30: {  	s3 =	sld [smem:$0x3FAF]  }
0x31: {  	[smem:$0x3FB8] =	sst s10  }
0x32: {  	s10 =	sld [smem:$0x3FB6];
	_ =	sdelay $0x3  }
0x33: {  	p0 =	seq.s32 s10, $0x1;
	s10 =	sld [smem:$0x3FB8];
	_ =	sdelay $0x3  }
0x34: {  	[smem:$0x3FB8] =	sst s10  }
0x35: {  	s10 =	sld [smem:$0x3FB7];
	_ =	sdelay $0x3  }
0x36: {  	p1 =	seq.s32 s10, $0x1;
	s10 =	sld [smem:$0x3FB8];
	_ =	sdelay $0x3  }
0x37: {  	[smem:$0x3FB8] =	sst s10  }
0x38: {  	s10 =	sld [smem:$0x3FB9]  }
0x39: {  	_ = 	snop;
	(pc) =	sbr.ind lr, $3  }
0x3a: {  	_ = 	snop  }
0x3b: {  	_ = 	snop  }
0x3c: {  	p2 =	seq.s32 s10, $0x1;
	s10 =	sld [smem:$0x3FB8]  }
0x3d: {  	_ =	shalt  }
0x3e: {  	_ =	shalt  }
0x3f: {  	_ =	shalt  }
0x40: {  	_ =	shalt  }
0x41: {  	_ =	shalt  }
0x42: {  	_ =	shalt  }
0x43: {  	_ =	shalt  }
0x44: {  	_ =	shalt  }
0x45: {  	_ =	shalt  }
0x46: {  	_ =	shalt  }
0x47: {  	_ =	shalt  }
0x48: {  	_ =	shalt  }
0x49: {  	_ =	shalt  }
0x4a: {  	_ =	shalt  }
0x4b: {  	_ =	shalt  }
0x4c: {  	_ =	shalt  }
0x4d: {  	_ =	shalt  }
0x4e: {  	_ =	shalt  }
0x4f: {  	_ =	shalt  }
0x50: {  	_ =	shalt  }
0x51: {  	_ =	shalt  }
0x52: {  	_ =	shalt  }
0x53: {  	_ =	shalt  }
0x54: {  	_ =	shalt  }
0x55: {  	_ =	shalt  }
0x56: {  	_ =	shalt  }
0x57: {  	_ =	shalt  }
0x58: {  	_ =	shalt  }
0x59: {  	_ =	shalt  }
0x5a: {  	_ =	shalt  }
0x5b: {  	_ =	shalt  }
0x5c: {  	_ =	shalt  }
0x5d: {  	_ =	shalt  }
0x5e: {  	_ =	shalt  }
0x5f: {  	_ =	shalt  }
0x60: {  	_ =	shalt  }
0x61: {  	_ =	shalt  }
0x62: {  	_ =	shalt  }
0x63: {  	_ =	shalt  }
0x64: {  	_ =	shalt  }
0x65: {  	_ =	shalt  }
0x66: {  	_ =	shalt  }
0x67: {  	_ =	shalt  }
0x68: {  	_ =	shalt  }
0x69: {  	_ =	shalt  }
0x6a: {  	_ =	shalt  }
0x6b: {  	_ =	shalt  }
0x6c: {  	_ =	shalt  }
0x6d: {  	_ =	shalt  }
0x6e: {  	_ =	shalt  }
0x6f: {  	_ =	shalt  }
0x70: {  	_ =	shalt  }
0x71: {  	_ =	shalt  }
0x72: {  	_ =	shalt  }
0x73: {  	_ =	shalt  }
0x74: {  	_ =	shalt  }
0x75: {  	_ =	shalt  }
0x76: {  	_ =	shalt  }
0x77: {  	_ =	shalt  }
0x78: {  	_ =	shalt  }
0x79: {  	_ =	shalt  }
0x7a: {  	_ =	shalt  }
0x7b: {  	_ =	shalt  }
0x7c: {  	_ =	shalt  }
0x7d: {  	_ =	shalt  }
0x7e: {  	_ =	shalt  }
0x7f: {  	_ =	shalt  }
0x80: {  	_ =	shalt  }
0x81: {  	_ =	shalt  }
0x82: {  	_ =	shalt  }
0x83: {  	_ =	shalt  }
0x84: {  	_ =	shalt  }
0x85: {  	_ =	shalt  }
0x86: {  	_ =	shalt  }
0x87: {  	_ =	shalt  }
.Lfunc_end0:
.L_simem_size_0:
called_computation_lowered:
.L_overlay_start_0:
0x88: {  	s2 =	sld [smem:$0x3FD9]  }
0x89: {  	s3 =	sld [smem:$0x3FFE];
	_ =	sdelay $0x1  }
0x8a: {  	s1 =	srdreg.scid  }
0x8b: {  	s0 =	sand.u32 $0x1, s1  }
0x8c: {  	s17 =	sshll.u32 s0, $0xA;
	s2 =	sadd.s32 s3, s2  }
0x8d: {  	s2 =	sadd.s32 s2, s17  }
0x8e: {  	[smem:$0x3FC4] =	sst s2  }
0x8f: {  	_ = 	snop  }
0x90: {  	s2 =	sld [smem:$0x3FC8]  }
0x91: {  	s18 =	sld [smem:$0x3FC7]  }
0x92: {  	s4 =	sld [smem:$0x3FC6]  }
0x93: {  	s5 =	sld [smem:$0x3FD0];
	(tm) =	ssettm $0x1  }
0x94: {  	s6 =	sld [smem:$0x3FFB];
	_ =	sdelay $0x3  }
0x95: {  	_ =	strace s6  }
0x96: {  	s6 =	sld [smem:$0x3FFC];
	_ =	sdelay $0x3  }
0x97: {  	_ =	strace s6  }
0x98: {  	s6 =	sld [smem:$0x3FFD];
	_ =	sdelay $0x3  }
0x99: {  	_ =	strace s6  }
0x9a: {  	_ =	strace $0x8FFFFFFF  }
0x9b: {  	s19 =	sld [smem:$0x3FDB];
	_ =	sdelay $0x1  }
0x9c: {  	s7 =	simm.s32 $_scs_section_size  }
0x9d: {  	s8 =	simm.s32 $_size__tile_overlayer_lowered;
	s9 =	simm.s32 $_tile_overlayer_lowered  }
0x9e: {  	s22 =	simm.s32 $0x1BFF;
	s21 =	sshll.u32 s9, $0x1;
	s6 =	sadd.s32 s7, s19  }
0x9f: {  	s10 =	simm.s32 $0x0;
	s20 =	sshll.u32 s8, $0x1;
	s8 =	sadd.s32 s21, s6  }
0xa0: {  	[timem:s10], [sflag:s22] =	dma.local [hbm:s8], s20  }
0xa1: {  	_ =	swait.ge [sflag:s22], s20  }
0xa2: {  	s7 =	ssub.s32 $0x0, s20;
	[sflag:s22] =	ssyncset.done $0x0  }
0xa3: {  	[sflag:s22] =	ssyncadd.s32 s7;
	_ =	sdelay $0x1  }
0xa4: {  	s23 =	simm.s32 $0x1B8B  }
0xa5: {  	_ =	swait.ge [sflag:s23], $0x1  }
0xa6: {  	[sflag:s23] =	ssyncset.done $0x0  }
0xa7: {  	s25 =	simm.s32 $0x1B8E;
	s24 =	sld [smem:$0x3FFE];
	[sflag:s23] =	ssyncadd.s32 $0xFFFFFFFF  }
0xa8: {  	s26 =	simm.s32 $execute0_lowered;
	[smem:$0x3FD2] =	sst s25  }
0xa9: {  	s8 =	sshll.u32 s26, $0x1;
	_ =	strace $0x80000046;
	[dreg:$0x1] =	wrdreg $0xFFFFFFFF  }
0xaa: {  	s28 =	simm.s32 $_size_execute0_lowered;
	s6 =	sadd.s32 s6, s8;
	[dreg:$0x0] =	wrdreg $0x0  }
0xab: {  	s8 =	sshll.u32 s28, $0x1;
	[dreg:$0x2] =	wrdreg s6  }
0xac: {  	[dreg:$0x3] =	wrdreg s8  }
0xad: {  	[dreg:$0x4] =	wrdreg $0xC0  }
0xae: {  	_ =	task [dreg:s10], $0x5FFFF  }
0xaf: {  	[dreg:$0x1] =	wrdreg $0xFFFFFFFF  }
0xb0: {  	[dreg:$0x0] =	wrdreg $0x60  }
0xb1: {  	[dreg:$0x2] =	wrdreg s24  }
0xb2: {  	[dreg:$0x3] =	wrdreg s2  }
0xb3: {  	[dreg:$0x4] =	wrdreg s18  }
0xb4: {  	[dreg:$0x5] =	wrdreg s4  }
0xb5: {  	[dreg:$0x6] =	wrdreg s5  }
0xb6: {  	[dreg:$0x7] =	wrdreg $0x9  }
0xb7: {  	_ =	task.clear_ibuf [dreg:s10], $0x8FFFF;
	_ =	strace $0x90000046  }
0xb8: {  	s29 =	simm.s32 $0x9;
	_ =	strace $0x80000048  }
0xb9: {  	_ =	swait.ge [sflag:s29], $0x1  }
0xba: {  	[sflag:s29] =	ssyncadd.s32 $0xFFFFFFFF  }
0xbb: {  	_ =	strace $0x90000048  }
0xbc: {  	_ =	sfence  }
0xbd: {  	s30 =	sld [smem:$0x0];
	_ =	sdelay $0x2  }
0xbe: {  	s31 =	sshll.u32 s1, $0xD;
	s1 =	sshrl.u32 s1, $0x2  }
0xbf: {  	s3 =	sand.u32 $0x4000, s31;
	s1 =	sadd.s32 s1, s30  }
0xc0: {  	s0 =	sor.u32 s3, s0;
	s1 =	sshll.u32 s1, $0x11  }
0xc1: {  	s0 =	sor.u32 s1, s0  }
0xc2: {  	s0 =	sadd.s32 $0x8F2B, s0  }
0xc3: {  	[sflag:s0] =	ssyncadd.remote.s32 $0x1  }
0xc4: {  	_ =	sfence.sel $0xFFFF  }
0xc5: {  	[dreg:$0x0] =	wrdreg $0xFFFFFFFF;
	(pc) =	sbr.abs _section_cstart, $3  }
0xc6: {  	[dreg:$0x1] =	wrdreg $0xFFFFFFFF  }
0xc7: {  	_ =	task.clear_ibuf [dreg:s10], $0x2FFFF;
	_ =	strace $0x9FFFFFFF  }
0xc8: {  	(tm) =	ssettm $0x7FFFFFFF  }
0xc9: {  	_ =	shalt  }
tec
execute0_lowered:
.L_overlay_start_1:
0x0: {  	(tag) =	ssettag $0x1  }
0x1: {  	s1 =	rddreg [dreg:$0x0]  }
0x2: {  	s0 =	rddreg [dreg:$0x1];
	v0 =	vimm.s32 $0xBA98FEDC;
	v1 =	vimm.s32 $0x76543210  }
0x3: {  	s2 =	srdreg.scid;
	s3 =	stileid.u32;
	v2 =	vimm.s32 $0xFEDCBA98;
	v3 =	vimm.s32 $0x32107654;
	v4 =	vimm.s32 $0xDCFE98BA  }
0x4: {  	s5 =	simm.s32 $0x0;
	v5 =	vimm.s32 $0x54761032;
	v6 =	vimm.s32 $0xEFCDAB89;
	v7 =	vimm.s32 $0x67452301;
	s15 =	simm.s32 $0x2;
	s18 =	simm.s32 $0x100  }
0x5: {  	s20 =	simm.s32 $0x1100;
	s21 =	simm.s32 $0x1900;
	s22 =	simm.s32 $0x2100;
	vm0 =	vmmov $0xffff;
	v0 =	vunpack.c.l.s4.s8 v0;
	v3 =	vunpack.c.l.s4.s8 v3  }
0x6: {  	s23 =	simm.s32 $0x2900;
	s24 =	simm.s32 $0x3100;
	s25 =	simm.s32 $0x3900;
	v1 =	vunpack.c.l.s4.s8 v1;
	v4 =	vunpack.c.l.s4.s8 v4;
	v5 =	vunpack.c.l.s4.s8 v5  }
0x7: {  	s26 =	simm.s32 $0x4100;
	s28 =	simm.s32 $0x1;
	s2 =	sand.u32 $0x1, s2;
	v2 =	vunpack.c.l.s4.s8 v2;
	v0 =	vunpack.c.0.s8.s32 v0;
	v3 =	vunpack.c.0.s8.s32 v3  }
0x8: {  	s19 =	simm.s32 $0x0;
	s3 =	sshll.u32 s3, $0x9;
	v6 =	vunpack.c.l.s4.s8 v6;
	v7 =	vunpack.c.l.s4.s8 v7;
	s4 =	sshll.u32 s2, $0x8;
	v4 =	vunpack.c.0.s8.s32 v4  }
0x9: {  	[smem:$0x7FF] =	sst s5;
	s8 =	sadd.s32 $0x800, s1;
	s7 =	sor.u32 s4, s3;
	v5 =	vunpack.c.0.s8.s32 v5;
	v2 =	vunpack.c.0.s8.s32 v2;
	v8 =	vcombine.low v3, v0  }
0xa: {  	s11 =	sadd.s32 $0x100, s0;
	s2 =	ssub.s32 $0x2, s2;
	s3 =	sshrl.u32 s7, $0x3;
	v0 =	vunpack.c.0.s8.s32 v6;
	v3 =	vunpack.c.0.s8.s32 v7;
	v6 =	vlaneseq.u32  }
0xb: {  	s12 =	sadd.s32 $0x200, s0;
	s30 =	sshrl.u32 s2, $0x1;
	s3 =	sadd.s32 s3, s1;
	v5 =	vcombine.low v5, v4;
	v7 =	vunpack.c.0.s8.s32 v1;
	v4 =	vshrl.u32 v6, $0x3  }
0xc: {  	s13 =	sadd.s32 $0x300, s0;
	s1 =	ssub.s32 s2, s30;
	s31 =	sadd.s32 $0x400, s3;
	v9 =	vcombine.low v3, v0;
	v0 =	vand.u32 $0x7, v6;
	v1 =	vmul.u32 $0x8, v4  }
0xd: {  	_ =	strace $0x80000047;
	s1 =	smax.u32 s1, $0x1;
	[dreg:$0x6] =	wrdreg s31;
	v3 =	vand.u32 $0xF, v2;
	v2 =	vor.u32 $0x8, v6;
	v4 =	vand.u32 $0xF, v8  }
0xe: {  	s9 =	sand.u32 $0x700, s7;
	s2 =	simm.s32 $0x0;
	[dreg:$0x7] =	wrdreg s1;
	v5 =	vand.u32 $0xF, v5;
	v3 =	vcombine.low v3, v7;
	v6 =	vand.u32 $0xF, v9  }
.LBB2_1:
0xf: {  	[dreg:$0x8] =	wrdreg s2  }
0x10: {  	s16 =	simm.s32 $0x0;
	s1 =	rddreg [dreg:$0x6]  }
0x11: {  	[tilespmem:s16], [sflag:$0x2] =	stream.linear.gather [hbm4b:s1+s16], $0x100, $0x38;
	[tilespmem:$0x8900] =	vst v63  }
0x12: {  	_ =	swait.ge [sflag:s15], $0x100  }
0x13: {  	[sflag:s15] =	ssyncset.done $0x0  }
0x14: {  	[sflag:s15] =	ssyncadd.s32 $0xFFFFFF00  }
0x15: {  	s3 =	simm.s32 $0x8100;
	s17 =	rddreg [dreg:$0x2]  }
0x16: {  	[tilespmem:s3], [sflag:$0x2] =	stream.linear.gather [hbm4b:s17+s16], $0x400, $0x38;
	[tilespmem:$0x8900] =	vst v63  }
0x17: {  	_ =	swait.ge [sflag:s15], $0x400  }
0x18: {  	[sflag:s15] =	ssyncset.done $0x0  }
0x19: {  	[sflag:s15] =	ssyncadd.s32 $0xFFFFFC00  }
0x1a: {  	s31 =	simm.s32 $0x8500;
	s29 =	rddreg [dreg:$0x3]  }
0x1b: {  	[tilespmem:s31], [sflag:$0x2] =	stream.linear.gather [hbm4b:s29+s16], $0x400, $0x38;
	[tilespmem:$0x8900] =	vst v63  }
0x1c: {  	_ =	swait.ge [sflag:s15], $0x400  }
0x1d: {  	[sflag:s15] =	ssyncset.done $0x0  }
0x1e: {  	s30 =	simm.s32 $0x0;
	[sflag:s15] =	ssyncadd.s32 $0xFFFFFC00  }
.LBB2_2:
0x1f: {  	s31 =	sshll.u32 s30, $0x4  }
0x20: {  	v7 =	vld [tilespmem:s31+$0x0];
	_ =	sdelay $0x4  }
0x21: {  	v8 =	vshll.u32 v7, $0x3  }
0x22: {  	v7 =	vand.u32 $0x7, v7;
	v8 =	vand.u32 $0xFFFFFFC0, v8  }
0x23: {  	v7 =	vor.u32 v7, v8  }
0x24: {  	v8 =	vperm.xlane v7, v0;
	_ =	sdelay $0x1  }
0x25: {  	v8 =	vadd.s32 v1, v8;
	_ =	sdelay $0x3  }
0x26: {  	s2 =	simm.s32 $0x0  }
0x27: {  	[tilespmem:s18], [sflag:$0x1] =	stream.indirect_vreg.gather [hbm4b:s0+s2], $0x80, v8, vm0, $0xb8;
	[tilespmem:$0x8900] =	vst v63  }
0x28: {  	s1 =	simm.s32 $0x900;
	v7 =	vperm.xlane v7, v2  }
0x29: {  	[tilespmem:s1], [sflag:$0x1] =	stream.indirect_vreg.gather [hbm4b:s11+s2], $0x80, v8, vm0, $0xb8;
	[tilespmem:$0x8900] =	vst v63  }
0x2a: {  	v7 =	vadd.s32 v1, v7  }
0x2b: {  	[tilespmem:s20], [sflag:$0x1] =	stream.indirect_vreg.gather [hbm4b:s12+s2], $0x80, v8, vm0, $0xb8;
	[tilespmem:$0x8900] =	vst v63  }
0x2c: {  	_ = 	snop  }
0x2d: {  	[tilespmem:s21], [sflag:$0x1] =	stream.indirect_vreg.gather [hbm4b:s13+s2], $0x80, v8, vm0, $0xb8;
	[tilespmem:$0x8900] =	vst v63  }
0x2e: {  	_ = 	snop  }
0x2f: {  	[tilespmem:s22], [sflag:$0x1] =	stream.indirect_vreg.gather [hbm4b:s0+s2], $0x80, v7, vm0, $0xb8;
	[tilespmem:$0x8900] =	vst v63  }
0x30: {  	_ = 	snop  }
0x31: {  	[tilespmem:s23], [sflag:$0x1] =	stream.indirect_vreg.gather [hbm4b:s11+s2], $0x80, v7, vm0, $0xb8;
	[tilespmem:$0x8900] =	vst v63  }
0x32: {  	s29 =	sadd.s32 s9, s31  }
0x33: {  	[tilespmem:s24], [sflag:$0x1] =	stream.indirect_vreg.gather [hbm4b:s12+s2], $0x80, v7, vm0, $0xb8;
	[tilespmem:$0x8900] =	vst v63  }
0x34: {  	s1 =	sshll.u32 s29, $0x7  }
0x35: {  	[tilespmem:s25], [sflag:$0x1] =	stream.indirect_vreg.gather [hbm4b:s13+s2], $0x80, v7, vm0, $0xb8;
	[tilespmem:$0x8900] =	vst v63  }
0x36: {  	s1 =	sadd.s32 s8, s1  }
0x37: {  	[tilespmem:s26], [sflag:$0x2] =	stream.linear.gather [hbm4b:s1+s2], $0x4000, $0x38;
	[tilespmem:$0x8900] =	vst v63  }
0x38: {  	_ =	swait.ge [sflag:s15], $0x4000  }
0x39: {  	[sflag:s15] =	ssyncset.done $0x0  }
0x3a: {  	[sflag:s15] =	ssyncadd.s32 $0xFFFFC000  }
0x3b: {  	_ =	swait.ge [sflag:s28], $0x4000  }
0x3c: {  	[sflag:s28] =	ssyncset.done $0x0  }
0x3d: {  	s5 =	simm.s32 $0x0;
	[sflag:s28] =	ssyncadd.s32 $0xFFFFC000  }
.LBB2_3:
0x3e: {  	s1 =	sshll.u32 s5, $0xA  }
0x3f: {  	s17 =	sand.u32 $0x1C00, s2;
	s3 =	sand.u32 $0x2000, s1  }
0x40: {  	s4 =	sshll.u32 s5, $0x7;
	s10 =	sand.u32 $0x70, s2;
	s14 =	sor.u32 s17, s3  }
0x41: {  	s1 =	sand.u32 $0x380, s4;
	s29 =	sor.u32 s10, s14  }
0x42: {  	s10 =	sor.u32 s1, s29  }
0x43: {  	v9 =	vld [tilespmem:s10+$0x4100]  }
0x44: {  	v10 =	vld [tilespmem:s10+$0x100];
	_ =	sdelay $0x1  }
0x45: {  	v7 =	vimm.f32 $0.0e+00;
	s16 =	simm.s32 $0x80;
	v8 =	vimm.f32 $0.0e+00;
	s17 =	simm.s32 $0x20;
	s14 =	simm.s32 $0x10  }
.LBB2_4:
0x46: {  	p0 =	sne.s32 s17, $0x3F0;
	s4 =	sand.u32 $0x1C00, s16  }
0x47: {  	s29 =	sand.u32 $0x70, s14;
	s14 =	smov.u32 s17;
	s4 =	sor.u32 s4, s3  }
0x48: {  	s4 =	sor.u32 s29, s4;
	v10 =	vadd.f32 v9, v10  }
.Ltmp0:
0x49: {  	s4 =	sor.u32 s1, s4;
	(pc) =	sbr.rel @p0 .LBB2_4-.Ltmp0, $4  }
0x4a: {  	v9 =	vld [tilespmem:s4+$0x4100];
	[tilespmem:s10+$0x100] =	vst v10;
	v7 =	vadd.f32 v10, v7;
	v11 =	vmul.f32 v10, v10;
	s10 =	smov.u32 s4  }
0x4b: {  	v10 =	vld [tilespmem:s10+$0x100]  }
0x4c: {  	v8 =	vadd.f32 v11, v8  }
0x4d: {  	s17 =	sadd.s32 $0x10, s17;
	s16 =	sadd.s32 $0x80, s16  }
0x4e: {  	s4 =	sand.u32 $0x1C00, s16  }
0x4f: {  	s14 =	sand.u32 $0x70, s14;
	s3 =	sor.u32 s4, s3  }
0x50: {  	s3 =	sor.u32 s14, s3;
	v9 =	vadd.f32 v9, v10  }
0x51: {  	s14 =	sor.u32 s1, s3  }
0x52: {  	v10 =	vld [tilespmem:s14+$0x4100];
	[tilespmem:s10+$0x100] =	vst v9  }
0x53: {  	v11 =	vld [tilespmem:s14+$0x100];
	_ =	sdelay $0x4  }
0x54: {  	v7 =	vadd.f32 v9, v7;
	v9 =	vmul.f32 v9, v9;
	v10 =	vadd.f32 v10, v11;
	_ =	sdelay $0x1  }
0x55: {  	v8 =	vadd.f32 v9, v8;
	v7 =	vadd.f32 v10, v7;
	v9 =	vmul.f32 v10, v10;
	_ =	sdelay $0x1  }
0x56: {  	v8 =	vadd.f32 v9, v8;
	v9 =	vperm.xlane v7, v3;
	_ =	sdelay $0x1  }
0x57: {  	v7 =	vadd.f32 v9, v7;
	v9 =	vperm.xlane v8, v3;
	_ =	sdelay $0x1  }
0x58: {  	v11 =	vperm.xlane v7, v4;
	v8 =	vadd.f32 v9, v8;
	_ =	sdelay $0x1  }
0x59: {  	v7 =	vadd.f32 v11, v7;
	v9 =	vperm.xlane v8, v4;
	_ =	sdelay $0x1  }
0x5a: {  	v11 =	vperm.xlane v7, v5;
	v8 =	vadd.f32 v9, v8;
	_ =	sdelay $0x1  }
0x5b: {  	v7 =	vadd.f32 v11, v7;
	v9 =	vperm.xlane v8, v5;
	_ =	sdelay $0x1  }
0x5c: {  	v11 =	vperm.xlane v7, v6;
	v8 =	vadd.f32 v9, v8;
	_ =	sdelay $0x1  }
0x5d: {  	v7 =	vadd.f32 v11, v7;
	v9 =	vperm.xlane v8, v6;
	_ =	sdelay $0x1  }
0x5e: {  	v7 =	vmul.f32 $9.765625000e-04, v7;
	v8 =	vadd.f32 v9, v8;
	_ =	sdelay $0x1  }
0x5f: {  	v8 =	vmul.f32 $9.765625000e-04, v8;
	v9 =	vmul.f32 v7, v7;
	_ =	sdelay $0x1  }
0x60: {  	v8 =	vsub.f32 v8, v9;
	_ =	sdelay $0x1  }
0x61: {  	v8 =	vadd.f32 $9.999999740e-06, v8;
	_ =	sdelay $0x1  }
0x62: {  	v9 =	vshrl.u32 v8, $0x1;
	v8 =	vmul.f32 $5.000000000e-01, v8  }
0x63: {  	v9 =	vsub.s32 $0x5F3759DF, v9  }
0x64: {  	v11 =	vmul.f32 v9, v8;
	_ =	sdelay $0x1  }
0x65: {  	v11 =	vmul.f32 v9, v11;
	_ =	sdelay $0x1  }
0x66: {  	v11 =	vsub.f32 $1.500000000e+00, v11;
	_ =	sdelay $0x1  }
0x67: {  	v9 =	vmul.f32 v9, v11;
	_ =	sdelay $0x1  }
0x68: {  	v11 =	vmul.f32 v9, v8;
	_ =	sdelay $0x1  }
0x69: {  	s3 =	sand.u32 $0x8, s5;
	v11 =	vmul.f32 v11, v9  }
0x6a: {  	s16 =	sadd.s32 $0x0, s3  }
0x6b: {  	s10 =	sshll.u32 s16, $0xA;
	v11 =	vsub.f32 $1.500000000e+00, v11  }
0x6c: {  	s1 =	sadd.s32 $0x100, s1;
	s16 =	simm.s32 $0x0;
	s10 =	sand.u32 $0x3FFFFC00, s10  }
0x6d: {  	s17 =	sand.u32 $0x70, s16;
	s10 =	sadd.s32 s10, s1;
	v9 =	vmul.f32 v11, v9  }
0x6e: {  	s17 =	sadd.s32 s17, s10;
	[tilespmem:s14+$0x100] =	vst v10  }
0x6f: {  	v10 =	vld [tilespmem:s17+$0x0];
	v8 =	vmul.f32 v9, v8;
	_ =	sdelay $0x1  }
0x70: {  	v8 =	vmul.f32 v8, v9;
	_ =	sdelay $0x1  }
0x71: {  	s14 =	simm.s32 $0x8100;
	v8 =	vsub.f32 $1.500000000e+00, v8  }
0x72: {  	v11 =	vsub.f32 v10, v7;
	v10 =	vld [tilespmem:s14+$0x0]  }
0x73: {  	s10 =	simm.s32 $0x8500;
	v8 =	vmul.f32 v8, v9  }
0x74: {  	v9 =	vld [tilespmem:s10+$0x0]  }
0x75: {  	v11 =	vmul.f32 v11, v8  }
0x76: {  	s29 =	simm.s32 $0x2;
	s4 =	simm.s32 $0x0  }
.LBB2_6:
0x77: {  	p0 =	sne.s32 s29, $0x3F;
	s4 =	sadd.s32 s3, s4;
	v10 =	vmul.f32 v11, v10  }
0x78: {  	s4 =	sshll.u32 s4, $0xA  }
0x79: {  	s16 =	sadd.s32 $0x10, s16;
	s4 =	sand.u32 $0x3FFFFC00, s4;
	v9 =	vadd.f32 v10, v9  }
0x7a: {  	s6 =	sand.u32 $0x70, s16;
	s4 =	sadd.s32 s4, s1  }
0x7b: {  	[tilespmem:s17+$0x0] =	vst v9;
	s17 =	sadd.s32 s6, s4  }
0x7c: {  	v9 =	vld [tilespmem:s17+$0x0];
	_ =	sdelay $0x2  }
0x7d: {  	s14 =	sadd.s32 $0x10, s14  }
.Ltmp1:
0x7e: {  	v10 =	vld [tilespmem:s14+$0x0];
	(pc) =	sbr.rel @p0 .LBB2_6-.Ltmp1, $4  }
0x7f: {  	s10 =	sadd.s32 $0x10, s10;
	v11 =	vsub.f32 v9, v7  }
0x80: {  	v9 =	vld [tilespmem:s10+$0x0]  }
0x81: {  	v11 =	vmul.f32 v11, v8  }
0x82: {  	s4 =	sshrl.u32 s29, $0x3;
	s29 =	sadd.s32 $0x1, s29  }
0x83: {  	s3 =	sadd.s32 s3, s4;
	v10 =	vmul.f32 v11, v10  }
0x84: {  	s3 =	sshll.u32 s3, $0xA  }
0x85: {  	s16 =	sadd.s32 $0x10, s16;
	s3 =	sand.u32 $0x3FFFFC00, s3;
	v9 =	vadd.f32 v10, v9  }
0x86: {  	s4 =	sand.u32 $0x70, s16;
	s1 =	sadd.s32 s3, s1  }
0x87: {  	s1 =	sadd.s32 s4, s1;
	[tilespmem:s17+$0x0] =	vst v9  }
0x88: {  	v9 =	vld [tilespmem:s1+$0x0];
	_ =	sdelay $0x2  }
0x89: {  	s17 =	sadd.s32 $0x10, s14  }
0x8a: {  	v62 =	vld [tilespmem:s17+$0x0]  }
0x8b: {  	s29 =	sadd.s32 $0x10, s10;
	v7 =	vsub.f32 v9, v7  }
0x8c: {  	v63 =	vld [tilespmem:s29+$0x0]  }
0x8d: {  	s5 =	sadd.s32 $0x1, s5;
	v7 =	vmul.f32 v7, v8  }
0x8e: {  	p0 =	sne.s32 s5, $0x10  }
.Ltmp2:
0x8f: {  	v7 =	vmul.f32 v7, v62;
	(pc) =	sbr.rel @p0 .LBB2_3-.Ltmp2, $3  }
0x90: {  	_ = 	snop  }
0x91: {  	v7 =	vadd.f32 v7, v63;
	_ =	sdelay $0x1  }
0x92: {  	[tilespmem:s1+$0x0] =	vst v7  }
0x93: {  	s1 =	sadd.s32 s7, s31;
	s30 =	sadd.s32 $0x1, s30  }
0x94: {  	s2 =	rddreg [dreg:$0x4];
	s1 =	sshll.u32 s1, $0x7;
	p0 =	sne.s32 s30, $0x10  }
.Ltmp3:
0x95: {  	s1 =	sadd.s32 s2, s1;
	(pc) =	sbr.rel @p0 .LBB2_2-.Ltmp3, $4  }
0x96: {  	[hbm4b:s1+s19] =	stream.linear.scatter [tilespmem:s18], [sflag:$0x2], $0x4000, $0x38;
	[tilespmem:$0x8900] =	vst v63  }
0x97: {  	_ =	swait.ge [sflag:s15], $0x4000  }
0x98: {  	[sflag:s15] =	ssyncset.done $0x0  }
0x99: {  	[sflag:s15] =	ssyncadd.s32 $0xFFFFC000  }
0x9a: {  	s2 =	rddreg [dreg:$0x8]  }
0x9b: {  	s1 =	rddreg [dreg:$0x7];
	s2 =	sadd.s32 $0x1, s2  }
0x9c: {  	p0 =	sne.s32 s2, s1  }
.Ltmp4:
0x9d: {  	_ = 	snop;
	(pc) =	sbr.rel @p0 .LBB2_1-.Ltmp4, $1  }
0x9e: {  	_ =	sdelay $0x3  }
0x9f: {  	_ =	sfence.sel $0x180000  }
0xa0: {  	[bflag:$0x0] =	sbarrier.arrive $0xFFFF  }
0xa1: {  	_ =	strace $0x90000047  }
0xa2: {  	s0 =	stileid.u32;
	[bflag:$0x2] =	sbarrier.arrive $0xFFFF  }
0xa3: {  	p0 =	sne.s32 s0, $0x0;
	s0 =	rddreg [dreg:$0x5]  }
0xa4: {  	s0 =	sadd.s32 @!p0 $0x100000, s0  }
0xa5: {  	[sflag:s0] =	ssyncadd.tile.s32 @!p0 $0x1;
	_ =	shalt  }
.Lfunc_end2:
_tile_overlayer_lowered:
.L_overlay_start_2:
0xa6: {  	(tag) =	ssettag $0x2  }
0xa7: {  	s0 =	rddreg [dreg:$0x0];
	s2 =	stileid.u32  }
0xa8: {  	s1 =	rddreg [dreg:$0x1];
	p0 =	sne.s32 s2, $0x0  }
0xa9: {  	s3 =	rddreg [dreg:$0x2];
	[bflag:$0x3] =	sbarrier.arrive $0xFFFF;
	s2 =	simm.s32 @!p0 $0x1C02  }
0xaa: {  	[timem:s3], [sflag:s2] =	dma.local @!p0 [hbm:s0], s1  }
0xab: {  	s0 =	simm.s32 @!p0 $0x2  }
0xac: {  	_ =	swait.ge @!p0 [sflag:s0], s1  }
0xad: {  	s1 =	ssub.s32 @!p0 $0x0, s1;
	[sflag:s0] =	ssyncset.done @!p0 $0x0  }
0xae: {  	[sflag:s0] =	ssyncadd.s32 @!p0 s1  }
0xaf: {  	[bflag:$0x3] =	sbarrier.arrive $0xFFFF  }
0xb0: {  	_ =	shalt  }

</sc_bundles>
